<compile_context>
chip_gen: v7x
topology: tpu7x:2x2x1
jax: 0.10.2.dev20260603
libtpu: 0.0.44.dev20260713+nightly
codegen_flags: <defaults>
</compile_context>

<pallas_src>
import jax
import jax.numpy as jnp
from jax import lax
from jax.experimental import pallas as pl
from jax.experimental.pallas import tpu as pltpu
from jax.experimental.pallas import tpu_sc as plsc

B = 64
N = 4096
KMAX = 64
ONE_BITS = 0x3F800000
BI = 8
L = 16
ROWS_PER_TILE = 2


def _sc_rowmax_kernel(w_hbm, mx_hbm, wrows, mx_v):
    wid = lax.axis_index("s") * 2 + lax.axis_index("c")
    base = wid * ROWS_PER_TILE
    pltpu.sync_copy(w_hbm.at[pl.ds(base, ROWS_PER_TILE)], wrows)

    for r in range(ROWS_PER_TILE):
        wrow = wrows.at[r]

        def mx_step(i, m):
            return jnp.maximum(m, wrow[pl.ds(i * L, L)])

        m = lax.fori_loop(0, N // L, mx_step, jnp.zeros((L,), jnp.float32))
        s = m[0]
        for j in range(1, L):
            s = jnp.maximum(s, m[j])
        mx_v[...] = jnp.full((L,), s, jnp.float32)
        pltpu.sync_copy(mx_v, mx_hbm.at[base + r])


def _expand_kernel(w_ref, mx_ref, o_ref, t_s):
    g = pl.program_id(0)
    w = w_ref[...]

    @pl.when(g == 0)
    def _():
        ent = -(w * jnp.log(w + 1e-08)).sum(axis=-1, keepdims=True)
        k = jnp.clip((KMAX * (1.0 - ent)).astype(jnp.int32), 1, KMAX)
        kf = k.astype(jnp.float32)

        mxb = lax.bitcast_convert_type(mx_ref[...][:, :1], jnp.int32)
        fast = k == 1
        lo = jnp.where(fast, mxb, 0)
        hi = jnp.where(fast, mxb + 1, ONE_BITS)

        def not_done(carry):
            lo, hi = carry
            return jnp.any(hi - lo > 1)

        def step(carry):
            lo, hi = carry
            mid = (lo + hi) >> 1
            cand = lax.bitcast_convert_type(mid, jnp.float32)
            cnt = jnp.where(w >= cand, 1.0, 0.0).sum(axis=-1, keepdims=True)
            ge = cnt >= kf
            lo = jnp.where(ge, mid, lo)
            hi = jnp.where(ge, hi, mid)
            return lo, hi

        lo, hi = lax.while_loop(not_done, step, (lo, hi))
        t_s[...] = lax.bitcast_convert_type(lo, jnp.float32)

    t = t_s[pl.ds(g * BI, BI), :]
    wb = w[None, :, :]
    num = jnp.where(wb >= t[:, :, None], wb, 0.0)
    s = num.sum(axis=-1, keepdims=True)
    o_ref[...] = num * (1.0 / (s + 1e-08))


@jax.jit
def kernel(weights):
    sc_rowmax = pl.kernel(
        _sc_rowmax_kernel,
        out_type=jax.ShapeDtypeStruct((B, L), jnp.float32),
        mesh=plsc.VectorSubcoreMesh(core_axis_name="c", subcore_axis_name="s"),
        scratch_types=[
            pltpu.VMEM((ROWS_PER_TILE, N), jnp.float32),
            pltpu.VMEM((L,), jnp.float32),
        ],
    )
    mx = sc_rowmax(weights)

    out = pl.pallas_call(
        _expand_kernel,
        grid=(B // BI,),
        in_specs=[
            pl.BlockSpec((B, N), lambda g: (0, 0)),
            pl.BlockSpec((B, L), lambda g: (0, 0)),
        ],
        out_specs=pl.BlockSpec((BI, B, N), lambda g: (g, 0, 0)),
        out_shape=jax.ShapeDtypeStruct((B, B, N), jnp.float32),
        scratch_shapes=[pltpu.VMEM((B, 1), jnp.float32)],
    )(weights, mx)
    return out

# --- scband reference (transcript-rebuilt; emitter-appended) ---
"""Pipeline reference for scband-dynamic-sparse-top-kattention-18468359373397 (READ-ONLY COPY).

The authoritative reference and input builder live on the scoring server;
editing this copy changes nothing except your own understanding.
"""

import jax, jax.numpy as jnp
import numpy as np

MAX_TOP_K = 64


def setup_inputs(seed: int = 0) -> dict:
    key = jax.random.key(seed)
    weights = jax.random.uniform(key, (64, 4096), dtype=jnp.float32)
    return {"weights": weights}


def reference(weights):
    # entropy: [B, 1]
    entropy = -(weights * jnp.log(weights + 1e-08)).sum(axis=-1, keepdims=True)
    # top_k: int, clamped to [1, MAX_TOP_K]; torch .int() truncates toward zero
    top_k = jnp.clip((MAX_TOP_K * (1.0 - entropy)).astype(jnp.int32), 1, MAX_TOP_K)
    # descending sort along last dim
    sorted_weights = jnp.sort(weights, axis=-1)[..., ::-1]
    # gather threshold at position top_k-1, then unsqueeze(-1) -> [B, 1, 1]
    thresholds = jnp.take_along_axis(sorted_weights, top_k - 1, axis=-1)[..., None]
    # broadcasting matches torch: weights [B,N] vs thresholds [B,1,1] -> [B,B,N]
    sparse_weights = jnp.where(weights >= thresholds, weights, jnp.zeros_like(weights))
    sparse_weights = sparse_weights / (sparse_weights.sum(axis=-1, keepdims=True) + 1e-08)
    return sparse_weights

if __name__ == "__main__":
    import jax
    _d = setup_inputs()
    print(jax.jit(kernel)(*tuple(_d.values())))

</pallas_src>

<mosaic_0001>
#map = affine_map<(d0, d1) -> (0, 0)>
module attributes {stable_mosaic.version = 14 : i64} {
  func.func @_sc_rowmax_kernel(%arg0: i32, %arg1: i32, %arg2: memref<64x4096xf32, #tpu.memory_space<hbm>>, %arg3: memref<64x16xf32, #tpu.memory_space<hbm>>, %arg4: memref<2x4096xf32, #tpu.memory_space<vmem>>, %arg5: memref<16xf32, #tpu.memory_space<vmem>>) attributes {dimension_semantics = [#tpu.dimension_semantics<core_parallel>, #tpu.dimension_semantics<subcore_parallel>], iteration_bounds = array<i64: 2, 16>, scalar_prefetch = 0 : i64, scratch_operands = 2 : i64, tpu.core_type = #tpu.core_type<sc_vector_subcore>, window_params = [{transform_indices = #map}, {transform_indices = #map}]} {
    %mul3A = arith.constant 2 : i32
    %mul3A_0 = arith.muli %arg1, %mul3A : i32
    %add3A = arith.addi %mul3A_0, %arg0 : i32
    %mul3A_1 = arith.constant 2 : i32
    %mul3A_2 = arith.muli %add3A, %mul3A_1 : i32
    "tpu.region"() ({
      %run_scoped3A = tpu.sem_alloc : memref<!tpu.dma_semaphore, #tpu.memory_space<semaphore_mem>>
      %dma_start3A = arith.constant 0 : i32
      %dma_start3A_123 = tpu.memref_slice %arg2[%mul3A_2, %dma_start3A] : memref<64x4096xf32, #tpu.memory_space<hbm>> -> memref<2x4096xf32, #tpu.memory_space<hbm>>
      %dma_start3A_124 = arith.constant 0 : i32
      %dma_start3A_125 = tpu.memref_slice %arg2[%mul3A_2, %dma_start3A_124] : memref<64x4096xf32, #tpu.memory_space<hbm>> -> memref<2x4096xf32, #tpu.memory_space<hbm>>
      tpu.enqueue_dma source(%dma_start3A_125 : memref<2x4096xf32, #tpu.memory_space<hbm>>) target(%arg4 : memref<2x4096xf32, #tpu.memory_space<vmem>>) target_semaphore(%run_scoped3A : memref<!tpu.dma_semaphore, #tpu.memory_space<semaphore_mem>>)
      %dma_wait3A = arith.constant 0 : i32
      %dma_wait3A_126 = tpu.memref_slice %arg2[%mul3A_2, %dma_wait3A] : memref<64x4096xf32, #tpu.memory_space<hbm>> -> memref<2x4096xf32, #tpu.memory_space<hbm>>
      %dma_wait3A_127 = arith.constant 0 : i32
      %dma_wait3A_128 = tpu.memref_slice %arg2[%mul3A_2, %dma_wait3A_127] : memref<64x4096xf32, #tpu.memory_space<hbm>> -> memref<2x4096xf32, #tpu.memory_space<hbm>>
      tpu.wait_dma2 semaphore(%run_scoped3A : memref<!tpu.dma_semaphore, #tpu.memory_space<semaphore_mem>>) src(%dma_wait3A_128 : memref<2x4096xf32, #tpu.memory_space<hbm>>) dst(%arg4 : memref<2x4096xf32, #tpu.memory_space<vmem>>)
      tpu.yield
    }) : () -> ()
    %broadcast_in_dim3A = arith.constant 0.000000e+00 : f32
    %broadcast_in_dim3A_3 = vector.broadcast %broadcast_in_dim3A : f32 to vector<16xf32>
    %scan3A = arith.constant 0 : i32
    %scan3A_4 = arith.constant 0 : i32
    %scan3A_5 = arith.constant 256 : i32
    %scan3A_6 = arith.addi %scan3A_4, %scan3A_5 : i32
    %scan3A_7 = arith.constant 1 : i32
    %scan3A_8 = scf.for %scan3A_123 = %scan3A_4 to %scan3A_6 step %scan3A_7 iter_args(%scan3A_124 = %broadcast_in_dim3A_3) -> (vector<16xf32>)  : i32 {
      %mul3A_125 = arith.constant 16 : i32
      %mul3A_126 = arith.muli %scan3A_123, %mul3A_125 : i32
      %get3A = arith.constant 0 : i32
      %get3A_127 = tpu.memref_slice %arg4[%scan3A, %get3A] : memref<2x4096xf32, #tpu.memory_space<vmem>> -> memref<1x4096xf32, #tpu.memory_space<vmem>>
      %get3A_128 = tpu.memref_squeeze %get3A_127 : memref<1x4096xf32, #tpu.memory_space<vmem>> -> memref<4096xf32, #tpu.memory_space<vmem>>
      %get3A_129 = arith.index_cast %mul3A_126 : i32 to index
      %get3A_130 = tpu.vector_load %get3A_128[%get3A_129] {strides = array<i32>} : memref<4096xf32, #tpu.memory_space<vmem>>, vector<16xf32>,
      %get3A_131 = vector.shape_cast %get3A_130 : vector<16xf32> to vector<16xf32>
      %max3A_132 = arith.maximumf %scan3A_124, %get3A_131 : vector<16xf32>
      scf.yield %max3A_132 : vector<16xf32>
    }
    %scan3A_9 = arith.constant 256 : i32
    %slice3A = vector.extract_strided_slice %scan3A_8 {offsets = [0], sizes = [1], strides = [1]} : vector<16xf32> to vector<1xf32>
    %squeeze3A = vector.extract %slice3A[0] : f32 from vector<1xf32>
    %slice3A_10 = vector.extract_strided_slice %scan3A_8 {offsets = [1], sizes = [1], strides = [1]} : vector<16xf32> to vector<1xf32>
    %squeeze3A_11 = vector.extract %slice3A_10[0] : f32 from vector<1xf32>
    %max3A = arith.maximumf %squeeze3A, %squeeze3A_11 : f32
    %slice3A_12 = vector.extract_strided_slice %scan3A_8 {offsets = [2], sizes = [1], strides = [1]} : vector<16xf32> to vector<1xf32>
    %squeeze3A_13 = vector.extract %slice3A_12[0] : f32 from vector<1xf32>
    %max3A_14 = arith.maximumf %max3A, %squeeze3A_13 : f32
    %slice3A_15 = vector.extract_strided_slice %scan3A_8 {offsets = [3], sizes = [1], strides = [1]} : vector<16xf32> to vector<1xf32>
    %squeeze3A_16 = vector.extract %slice3A_15[0] : f32 from vector<1xf32>
    %max3A_17 = arith.maximumf %max3A_14, %squeeze3A_16 : f32
    %slice3A_18 = vector.extract_strided_slice %scan3A_8 {offsets = [4], sizes = [1], strides = [1]} : vector<16xf32> to vector<1xf32>
    %squeeze3A_19 = vector.extract %slice3A_18[0] : f32 from vector<1xf32>
    %max3A_20 = arith.maximumf %max3A_17, %squeeze3A_19 : f32
    %slice3A_21 = vector.extract_strided_slice %scan3A_8 {offsets = [5], sizes = [1], strides = [1]} : vector<16xf32> to vector<1xf32>
    %squeeze3A_22 = vector.extract %slice3A_21[0] : f32 from vector<1xf32>
    %max3A_23 = arith.maximumf %max3A_20, %squeeze3A_22 : f32
    %slice3A_24 = vector.extract_strided_slice %scan3A_8 {offsets = [6], sizes = [1], strides = [1]} : vector<16xf32> to vector<1xf32>
    %squeeze3A_25 = vector.extract %slice3A_24[0] : f32 from vector<1xf32>
    %max3A_26 = arith.maximumf %max3A_23, %squeeze3A_25 : f32
    %slice3A_27 = vector.extract_strided_slice %scan3A_8 {offsets = [7], sizes = [1], strides = [1]} : vector<16xf32> to vector<1xf32>
    %squeeze3A_28 = vector.extract %slice3A_27[0] : f32 from vector<1xf32>
    %max3A_29 = arith.maximumf %max3A_26, %squeeze3A_28 : f32
    %slice3A_30 = vector.extract_strided_slice %scan3A_8 {offsets = [8], sizes = [1], strides = [1]} : vector<16xf32> to vector<1xf32>
    %squeeze3A_31 = vector.extract %slice3A_30[0] : f32 from vector<1xf32>
    %max3A_32 = arith.maximumf %max3A_29, %squeeze3A_31 : f32
    %slice3A_33 = vector.extract_strided_slice %scan3A_8 {offsets = [9], sizes = [1], strides = [1]} : vector<16xf32> to vector<1xf32>
    %squeeze3A_34 = vector.extract %slice3A_33[0] : f32 from vector<1xf32>
    %max3A_35 = arith.maximumf %max3A_32, %squeeze3A_34 : f32
    %slice3A_36 = vector.extract_strided_slice %scan3A_8 {offsets = [10], sizes = [1], strides = [1]} : vector<16xf32> to vector<1xf32>
    %squeeze3A_37 = vector.extract %slice3A_36[0] : f32 from vector<1xf32>
    %max3A_38 = arith.maximumf %max3A_35, %squeeze3A_37 : f32
    %slice3A_39 = vector.extract_strided_slice %scan3A_8 {offsets = [11], sizes = [1], strides = [1]} : vector<16xf32> to vector<1xf32>
    %squeeze3A_40 = vector.extract %slice3A_39[0] : f32 from vector<1xf32>
    %max3A_41 = arith.maximumf %max3A_38, %squeeze3A_40 : f32
    %slice3A_42 = vector.extract_strided_slice %scan3A_8 {offsets = [12], sizes = [1], strides = [1]} : vector<16xf32> to vector<1xf32>
    %squeeze3A_43 = vector.extract %slice3A_42[0] : f32 from vector<1xf32>
    %max3A_44 = arith.maximumf %max3A_41, %squeeze3A_43 : f32
    %slice3A_45 = vector.extract_strided_slice %scan3A_8 {offsets = [13], sizes = [1], strides = [1]} : vector<16xf32> to vector<1xf32>
    %squeeze3A_46 = vector.extract %slice3A_45[0] : f32 from vector<1xf32>
    %max3A_47 = arith.maximumf %max3A_44, %squeeze3A_46 : f32
    %slice3A_48 = vector.extract_strided_slice %scan3A_8 {offsets = [14], sizes = [1], strides = [1]} : vector<16xf32> to vector<1xf32>
    %squeeze3A_49 = vector.extract %slice3A_48[0] : f32 from vector<1xf32>
    %max3A_50 = arith.maximumf %max3A_47, %squeeze3A_49 : f32
    %slice3A_51 = vector.extract_strided_slice %scan3A_8 {offsets = [15], sizes = [1], strides = [1]} : vector<16xf32> to vector<1xf32>
    %squeeze3A_52 = vector.extract %slice3A_51[0] : f32 from vector<1xf32>
    %max3A_53 = arith.maximumf %max3A_50, %squeeze3A_52 : f32
    %broadcast_in_dim3A_54 = vector.broadcast %max3A_53 : f32 to vector<16xf32>
    %swap3A = arith.constant 0 : index
    %swap3A_55 = tpu.vector_load %arg5[%swap3A] {strides = array<i32>} : memref<16xf32, #tpu.memory_space<vmem>>, vector<16xf32>,
    %swap3A_56 = vector.shape_cast %swap3A_55 : vector<16xf32> to vector<16xf32>
    %swap3A_57 = vector.shape_cast %broadcast_in_dim3A_54 : vector<16xf32> to vector<16xf32>
    tpu.vector_store %arg5[%swap3A], %swap3A_57 {strides = array<i32>} : memref<16xf32, #tpu.memory_space<vmem>>, vector<16xf32>,
    %add3A_58 = arith.constant 0 : i32
    %add3A_59 = arith.addi %mul3A_2, %add3A_58 : i32
    "tpu.region"() ({
      %run_scoped3A = tpu.sem_alloc : memref<!tpu.dma_semaphore, #tpu.memory_space<semaphore_mem>>
      %dma_start3A = arith.constant 0 : i32
      %dma_start3A_123 = tpu.memref_slice %arg3[%add3A_59, %dma_start3A] : memref<64x16xf32, #tpu.memory_space<hbm>> -> memref<1x16xf32, #tpu.memory_space<hbm>>
      %dma_start3A_124 = tpu.memref_squeeze %dma_start3A_123 : memref<1x16xf32, #tpu.memory_space<hbm>> -> memref<16xf32, #tpu.memory_space<hbm>>
      %dma_start3A_125 = arith.constant 0 : i32
      %dma_start3A_126 = tpu.memref_slice %arg3[%add3A_59, %dma_start3A_125] : memref<64x16xf32, #tpu.memory_space<hbm>> -> memref<1x16xf32, #tpu.memory_space<hbm>>
      %dma_start3A_127 = tpu.memref_squeeze %dma_start3A_126 : memref<1x16xf32, #tpu.memory_space<hbm>> -> memref<16xf32, #tpu.memory_space<hbm>>
      tpu.enqueue_dma source(%arg5 : memref<16xf32, #tpu.memory_space<vmem>>) target(%dma_start3A_127 : memref<16xf32, #tpu.memory_space<hbm>>) target_semaphore(%run_scoped3A : memref<!tpu.dma_semaphore, #tpu.memory_space<semaphore_mem>>)
      %dma_wait3A = arith.constant 0 : i32
      %dma_wait3A_128 = tpu.memref_slice %arg3[%add3A_59, %dma_wait3A] : memref<64x16xf32, #tpu.memory_space<hbm>> -> memref<1x16xf32, #tpu.memory_space<hbm>>
      %dma_wait3A_129 = tpu.memref_squeeze %dma_wait3A_128 : memref<1x16xf32, #tpu.memory_space<hbm>> -> memref<16xf32, #tpu.memory_space<hbm>>
      %dma_wait3A_130 = arith.constant 0 : i32
      %dma_wait3A_131 = tpu.memref_slice %arg3[%add3A_59, %dma_wait3A_130] : memref<64x16xf32, #tpu.memory_space<hbm>> -> memref<1x16xf32, #tpu.memory_space<hbm>>
      %dma_wait3A_132 = tpu.memref_squeeze %dma_wait3A_131 : memref<1x16xf32, #tpu.memory_space<hbm>> -> memref<16xf32, #tpu.memory_space<hbm>>
      tpu.wait_dma2 semaphore(%run_scoped3A : memref<!tpu.dma_semaphore, #tpu.memory_space<semaphore_mem>>) src(%arg5 : memref<16xf32, #tpu.memory_space<vmem>>) dst(%dma_wait3A_132 : memref<16xf32, #tpu.memory_space<hbm>>)
      tpu.yield
    }) : () -> ()
    %broadcast_in_dim3A_60 = arith.constant 0.000000e+00 : f32
    %broadcast_in_dim3A_61 = vector.broadcast %broadcast_in_dim3A_60 : f32 to vector<16xf32>
    %scan3A_62 = arith.constant 1 : i32
    %scan3A_63 = arith.constant 0 : i32
    %scan3A_64 = arith.constant 256 : i32
    %scan3A_65 = arith.addi %scan3A_63, %scan3A_64 : i32
    %scan3A_66 = arith.constant 1 : i32
    %scan3A_67 = scf.for %scan3A_123 = %scan3A_63 to %scan3A_65 step %scan3A_66 iter_args(%scan3A_124 = %broadcast_in_dim3A_61) -> (vector<16xf32>)  : i32 {
      %mul3A_125 = arith.constant 16 : i32
      %mul3A_126 = arith.muli %scan3A_123, %mul3A_125 : i32
      %get3A = arith.constant 0 : i32
      %get3A_127 = tpu.memref_slice %arg4[%scan3A_62, %get3A] : memref<2x4096xf32, #tpu.memory_space<vmem>> -> memref<1x4096xf32, #tpu.memory_space<vmem>>
      %get3A_128 = tpu.memref_squeeze %get3A_127 : memref<1x4096xf32, #tpu.memory_space<vmem>> -> memref<4096xf32, #tpu.memory_space<vmem>>
      %get3A_129 = arith.index_cast %mul3A_126 : i32 to index
      %get3A_130 = tpu.vector_load %get3A_128[%get3A_129] {strides = array<i32>} : memref<4096xf32, #tpu.memory_space<vmem>>, vector<16xf32>,
      %get3A_131 = vector.shape_cast %get3A_130 : vector<16xf32> to vector<16xf32>
      %max3A_132 = arith.maximumf %scan3A_124, %get3A_131 : vector<16xf32>
      scf.yield %max3A_132 : vector<16xf32>
    }
    %scan3A_68 = arith.constant 256 : i32
    %slice3A_69 = vector.extract_strided_slice %scan3A_67 {offsets = [0], sizes = [1], strides = [1]} : vector<16xf32> to vector<1xf32>
    %squeeze3A_70 = vector.extract %slice3A_69[0] : f32 from vector<1xf32>
    %slice3A_71 = vector.extract_strided_slice %scan3A_67 {offsets = [1], sizes = [1], strides = [1]} : vector<16xf32> to vector<1xf32>
    %squeeze3A_72 = vector.extract %slice3A_71[0] : f32 from vector<1xf32>
    %max3A_73 = arith.maximumf %squeeze3A_70, %squeeze3A_72 : f32
    %slice3A_74 = vector.extract_strided_slice %scan3A_67 {offsets = [2], sizes = [1], strides = [1]} : vector<16xf32> to vector<1xf32>
    %squeeze3A_75 = vector.extract %slice3A_74[0] : f32 from vector<1xf32>
    %max3A_76 = arith.maximumf %max3A_73, %squeeze3A_75 : f32
    %slice3A_77 = vector.extract_strided_slice %scan3A_67 {offsets = [3], sizes = [1], strides = [1]} : vector<16xf32> to vector<1xf32>
    %squeeze3A_78 = vector.extract %slice3A_77[0] : f32 from vector<1xf32>
    %max3A_79 = arith.maximumf %max3A_76, %squeeze3A_78 : f32
    %slice3A_80 = vector.extract_strided_slice %scan3A_67 {offsets = [4], sizes = [1], strides = [1]} : vector<16xf32> to vector<1xf32>
    %squeeze3A_81 = vector.extract %slice3A_80[0] : f32 from vector<1xf32>
    %max3A_82 = arith.maximumf %max3A_79, %squeeze3A_81 : f32
    %slice3A_83 = vector.extract_strided_slice %scan3A_67 {offsets = [5], sizes = [1], strides = [1]} : vector<16xf32> to vector<1xf32>
    %squeeze3A_84 = vector.extract %slice3A_83[0] : f32 from vector<1xf32>
    %max3A_85 = arith.maximumf %max3A_82, %squeeze3A_84 : f32
    %slice3A_86 = vector.extract_strided_slice %scan3A_67 {offsets = [6], sizes = [1], strides = [1]} : vector<16xf32> to vector<1xf32>
    %squeeze3A_87 = vector.extract %slice3A_86[0] : f32 from vector<1xf32>
    %max3A_88 = arith.maximumf %max3A_85, %squeeze3A_87 : f32
    %slice3A_89 = vector.extract_strided_slice %scan3A_67 {offsets = [7], sizes = [1], strides = [1]} : vector<16xf32> to vector<1xf32>
    %squeeze3A_90 = vector.extract %slice3A_89[0] : f32 from vector<1xf32>
    %max3A_91 = arith.maximumf %max3A_88, %squeeze3A_90 : f32
    %slice3A_92 = vector.extract_strided_slice %scan3A_67 {offsets = [8], sizes = [1], strides = [1]} : vector<16xf32> to vector<1xf32>
    %squeeze3A_93 = vector.extract %slice3A_92[0] : f32 from vector<1xf32>
    %max3A_94 = arith.maximumf %max3A_91, %squeeze3A_93 : f32
    %slice3A_95 = vector.extract_strided_slice %scan3A_67 {offsets = [9], sizes = [1], strides = [1]} : vector<16xf32> to vector<1xf32>
    %squeeze3A_96 = vector.extract %slice3A_95[0] : f32 from vector<1xf32>
    %max3A_97 = arith.maximumf %max3A_94, %squeeze3A_96 : f32
    %slice3A_98 = vector.extract_strided_slice %scan3A_67 {offsets = [10], sizes = [1], strides = [1]} : vector<16xf32> to vector<1xf32>
    %squeeze3A_99 = vector.extract %slice3A_98[0] : f32 from vector<1xf32>
    %max3A_100 = arith.maximumf %max3A_97, %squeeze3A_99 : f32
    %slice3A_101 = vector.extract_strided_slice %scan3A_67 {offsets = [11], sizes = [1], strides = [1]} : vector<16xf32> to vector<1xf32>
    %squeeze3A_102 = vector.extract %slice3A_101[0] : f32 from vector<1xf32>
    %max3A_103 = arith.maximumf %max3A_100, %squeeze3A_102 : f32
    %slice3A_104 = vector.extract_strided_slice %scan3A_67 {offsets = [12], sizes = [1], strides = [1]} : vector<16xf32> to vector<1xf32>
    %squeeze3A_105 = vector.extract %slice3A_104[0] : f32 from vector<1xf32>
    %max3A_106 = arith.maximumf %max3A_103, %squeeze3A_105 : f32
    %slice3A_107 = vector.extract_strided_slice %scan3A_67 {offsets = [13], sizes = [1], strides = [1]} : vector<16xf32> to vector<1xf32>
    %squeeze3A_108 = vector.extract %slice3A_107[0] : f32 from vector<1xf32>
    %max3A_109 = arith.maximumf %max3A_106, %squeeze3A_108 : f32
    %slice3A_110 = vector.extract_strided_slice %scan3A_67 {offsets = [14], sizes = [1], strides = [1]} : vector<16xf32> to vector<1xf32>
    %squeeze3A_111 = vector.extract %slice3A_110[0] : f32 from vector<1xf32>
    %max3A_112 = arith.maximumf %max3A_109, %squeeze3A_111 : f32
    %slice3A_113 = vector.extract_strided_slice %scan3A_67 {offsets = [15], sizes = [1], strides = [1]} : vector<16xf32> to vector<1xf32>
    %squeeze3A_114 = vector.extract %slice3A_113[0] : f32 from vector<1xf32>
    %max3A_115 = arith.maximumf %max3A_112, %squeeze3A_114 : f32
    %broadcast_in_dim3A_116 = vector.broadcast %max3A_115 : f32 to vector<16xf32>
    %swap3A_117 = arith.constant 0 : index
    %swap3A_118 = tpu.vector_load %arg5[%swap3A_117] {strides = array<i32>} : memref<16xf32, #tpu.memory_space<vmem>>, vector<16xf32>,
    %swap3A_119 = vector.shape_cast %swap3A_118 : vector<16xf32> to vector<16xf32>
    %swap3A_120 = vector.shape_cast %broadcast_in_dim3A_116 : vector<16xf32> to vector<16xf32>
    tpu.vector_store %arg5[%swap3A_117], %swap3A_120 {strides = array<i32>} : memref<16xf32, #tpu.memory_space<vmem>>, vector<16xf32>,
    %add3A_121 = arith.constant 1 : i32
    %add3A_122 = arith.addi %mul3A_2, %add3A_121 : i32
    "tpu.region"() ({
      %run_scoped3A = tpu.sem_alloc : memref<!tpu.dma_semaphore, #tpu.memory_space<semaphore_mem>>
      %dma_start3A = arith.constant 0 : i32
      %dma_start3A_123 = tpu.memref_slice %arg3[%add3A_122, %dma_start3A] : memref<64x16xf32, #tpu.memory_space<hbm>> -> memref<1x16xf32, #tpu.memory_space<hbm>>
      %dma_start3A_124 = tpu.memref_squeeze %dma_start3A_123 : memref<1x16xf32, #tpu.memory_space<hbm>> -> memref<16xf32, #tpu.memory_space<hbm>>
      %dma_start3A_125 = arith.constant 0 : i32
      %dma_start3A_126 = tpu.memref_slice %arg3[%add3A_122, %dma_start3A_125] : memref<64x16xf32, #tpu.memory_space<hbm>> -> memref<1x16xf32, #tpu.memory_space<hbm>>
      %dma_start3A_127 = tpu.memref_squeeze %dma_start3A_126 : memref<1x16xf32, #tpu.memory_space<hbm>> -> memref<16xf32, #tpu.memory_space<hbm>>
      tpu.enqueue_dma source(%arg5 : memref<16xf32, #tpu.memory_space<vmem>>) target(%dma_start3A_127 : memref<16xf32, #tpu.memory_space<hbm>>) target_semaphore(%run_scoped3A : memref<!tpu.dma_semaphore, #tpu.memory_space<semaphore_mem>>)
      %dma_wait3A = arith.constant 0 : i32
      %dma_wait3A_128 = tpu.memref_slice %arg3[%add3A_122, %dma_wait3A] : memref<64x16xf32, #tpu.memory_space<hbm>> -> memref<1x16xf32, #tpu.memory_space<hbm>>
      %dma_wait3A_129 = tpu.memref_squeeze %dma_wait3A_128 : memref<1x16xf32, #tpu.memory_space<hbm>> -> memref<16xf32, #tpu.memory_space<hbm>>
      %dma_wait3A_130 = arith.constant 0 : i32
      %dma_wait3A_131 = tpu.memref_slice %arg3[%add3A_122, %dma_wait3A_130] : memref<64x16xf32, #tpu.memory_space<hbm>> -> memref<1x16xf32, #tpu.memory_space<hbm>>
      %dma_wait3A_132 = tpu.memref_squeeze %dma_wait3A_131 : memref<1x16xf32, #tpu.memory_space<hbm>> -> memref<16xf32, #tpu.memory_space<hbm>>
      tpu.wait_dma2 semaphore(%run_scoped3A : memref<!tpu.dma_semaphore, #tpu.memory_space<semaphore_mem>>) src(%arg5 : memref<16xf32, #tpu.memory_space<vmem>>) dst(%dma_wait3A_132 : memref<16xf32, #tpu.memory_space<hbm>>)
      tpu.yield
    }) : () -> ()
    return
  }
}

module attributes {stable_mosaic.version = 14 : i64} {
  func.func @_expand_kernel(%arg0: i32, %arg1: memref<64x4096xf32, #tpu.memory_space<vmem>>, %arg2: memref<64x16xf32, #tpu.memory_space<vmem>>, %arg3: memref<8x64x4096xf32, #tpu.memory_space<vmem>>, %arg4: memref<64x1xf32, #tpu.memory_space<vmem>>) attributes {dimension_semantics = [#tpu.dimension_semantics<arbitrary>], iteration_bounds = array<i64: 8>, scalar_prefetch = 0 : i64, scratch_operands = 1 : i64, tpu.core_type = #tpu.core_type<tc>, window_params = [{pipeline_mode = #tpu.pipeline_mode<synchronous>, transform_indices = @transform_0, window_bounds = array<i64: 64, 4096>}, {pipeline_mode = #tpu.pipeline_mode<synchronous>, transform_indices = @transform_1, window_bounds = array<i64: 64, 16>}, {transform_indices = @transform_2, window_bounds = array<i64: 8, 64, 4096>}]} {
    %get3A = arith.constant 0 : index
    %get3A_0 = arith.constant 0 : index
    %get3A_1 = vector.load %arg1[%get3A, %get3A_0] : memref<64x4096xf32, #tpu.memory_space<vmem>>, vector<64x4096xf32>
    %eq3A = arith.constant 0 : i32
    %eq3A_2 = arith.cmpi eq, %arg0, %eq3A : i32
    %convert_element_type3A = arith.extui %eq3A_2 : i1 to i32
    %cond3A = arith.constant 0 : i32
    %cond3A_3 = arith.cmpi ne, %convert_element_type3A, %cond3A : i32
    scf.if %cond3A_3 {
      %add3A_25 = arith.constant 9.99999993E-9 : f32
      %add3A_26 = vector.broadcast %add3A_25 : f32 to vector<64x4096xf32>
      %add3A_27 = arith.addf %get3A_1, %add3A_26 : vector<64x4096xf32>
      %log3A = math.log %add3A_27 : vector<64x4096xf32>
      %mul3A_28 = arith.mulf %get3A_1, %log3A : vector<64x4096xf32>
      %reduce_sum3A_29 = arith.constant dense<0.000000e+00> : vector<64xf32>
      %reduce_sum3A_30 = vector.multi_reduction <add>, %mul3A_28, %reduce_sum3A_29 [1] : vector<64x4096xf32> to vector<64xf32>
      %broadcast_in_dim3A_31 = vector.shape_cast %reduce_sum3A_30 : vector<64xf32> to vector<64x1xf32>
      %neg3A = arith.constant 0.000000e+00 : f32
      %neg3A_32 = vector.broadcast %neg3A : f32 to vector<64x1xf32>
      %neg3A_33 = arith.subf %neg3A_32, %broadcast_in_dim3A_31 : vector<64x1xf32>
      %sub3A = arith.constant 1.000000e+00 : f32
      %sub3A_34 = vector.broadcast %sub3A : f32 to vector<64x1xf32>
      %sub3A_35 = arith.subf %sub3A_34, %neg3A_33 : vector<64x1xf32>
      %mul3A_36 = arith.constant 6.400000e+01 : f32
      %mul3A_37 = vector.broadcast %mul3A_36 : f32 to vector<64x1xf32>
      %mul3A_38 = arith.mulf %mul3A_37, %sub3A_35 : vector<64x1xf32>
      %convert_element_type3A_39 = arith.fptosi %mul3A_38 : vector<64x1xf32> to vector<64x1xi32>
      %jit3A_40 = arith.constant 1 : i32
      %jit3A_41 = arith.constant 64 : i32
      %max3A = vector.broadcast %jit3A_40 : i32 to vector<64x1xi32>
      %max3A_42 = arith.maxsi %max3A, %convert_element_type3A_39 : vector<64x1xi32>
      %min3A = vector.broadcast %jit3A_41 : i32 to vector<64x1xi32>
      %min3A_43 = arith.minsi %min3A, %max3A_42 : vector<64x1xi32>
      %convert_element_type3A_44 = arith.sitofp %min3A_43 : vector<64x1xi32> to vector<64x1xf32>
      %get3A_45 = arith.constant 0 : index
      %get3A_46 = arith.constant 0 : index
      %get3A_47 = vector.load %arg2[%get3A_45, %get3A_46] : memref<64x16xf32, #tpu.memory_space<vmem>>, vector<64x16xf32>
      %slice3A = vector.extract_strided_slice %get3A_47 {offsets = [0, 0], sizes = [64, 1], strides = [1, 1]} : vector<64x16xf32> to vector<64x1xf32>
      %bitcast_convert_type3A = tpu.bitcast %slice3A : vector<64x1xf32> -> vector<64x1xi32>
      %eq3A_48 = arith.constant 1 : i32
      %eq3A_49 = vector.broadcast %eq3A_48 : i32 to vector<64x1xi32>
      %eq3A_50 = arith.cmpi eq, %min3A_43, %eq3A_49 : vector<64x1xi32>
      %jit3A_51 = arith.constant 0 : i32
      %broadcast_in_dim3A_52 = vector.broadcast %jit3A_51 : i32 to vector<64x1xi32>
      %select_n3A_53 = arith.select %eq3A_50, %bitcast_convert_type3A, %broadcast_in_dim3A_52 : vector<64x1xi1>, vector<64x1xi32>
      %add3A_54 = arith.constant 1 : i32
      %add3A_55 = vector.broadcast %add3A_54 : i32 to vector<64x1xi32>
      %add3A_56 = arith.addi %bitcast_convert_type3A, %add3A_55 : vector<64x1xi32>
      %jit3A_57 = arith.constant 1065353216 : i32
      %broadcast_in_dim3A_58 = vector.broadcast %jit3A_57 : i32 to vector<64x1xi32>
      %select_n3A_59 = arith.select %eq3A_50, %add3A_56, %broadcast_in_dim3A_58 : vector<64x1xi1>, vector<64x1xi32>
      %while3A:2 = scf.while (%while3A_64 = %select_n3A_53, %while3A_65 = %select_n3A_59) : (vector<64x1xi32>, vector<64x1xi32>) -> (vector<64x1xi32>, vector<64x1xi32>) {
        %sub3A_66 = arith.subi %while3A_65, %while3A_64 : vector<64x1xi32>
        %gt3A = arith.constant 1 : i32
        %gt3A_67 = vector.broadcast %gt3A : i32 to vector<64x1xi32>
        %gt3A_68 = arith.cmpi sgt, %sub3A_66, %gt3A_67 : vector<64x1xi32>
        %reduce_or3A = arith.constant 1.000000e+00 : f32
        %reduce_or3A_69 = arith.constant 0.000000e+00 : f32
        %reduce_or3A_70 = vector.broadcast %reduce_or3A : f32 to vector<64x1xf32>
        %reduce_or3A_71 = vector.broadcast %reduce_or3A_69 : f32 to vector<64x1xf32>
        %reduce_or3A_72 = arith.select %gt3A_68, %reduce_or3A_70, %reduce_or3A_71 : vector<64x1xi1>, vector<64x1xf32>
        %reduce_or3A_73 = vector.shape_cast %reduce_or3A_72 : vector<64x1xf32> to vector<1x64x1xf32>
        %reduce_or3A_74 = arith.constant dense<0xFF800000> : vector<1xf32>
        %reduce_or3A_75 = vector.multi_reduction <maximumf>, %reduce_or3A_73, %reduce_or3A_74 [1, 2] : vector<1x64x1xf32> to vector<1xf32>
        %reduce_or3A_76 = vector.shape_cast %reduce_or3A_75 : vector<1xf32> to vector<1x1x1xf32>
        %reduce_or3A_77 = vector.extract %reduce_or3A_76[0, 0, 0] : f32 from vector<1x1x1xf32>
        %reduce_or3A_78 = arith.constant 0.000000e+00 : f32
        %reduce_or3A_79 = arith.cmpf ogt, %reduce_or3A_77, %reduce_or3A_78 : f32
        scf.condition(%reduce_or3A_79) %while3A_64, %while3A_65 : vector<64x1xi32>, vector<64x1xi32>
      } do {
      ^bb0(%while3A_64: vector<64x1xi32>, %while3A_65: vector<64x1xi32>):
        %add3A_66 = arith.addi %while3A_64, %while3A_65 : vector<64x1xi32>
        %shift_right_arithmetic3A = arith.constant 1 : i32
        %shift_right_arithmetic3A_67 = vector.broadcast %shift_right_arithmetic3A : i32 to vector<64x1xi32>
        %shift_right_arithmetic3A_68 = arith.shrsi %add3A_66, %shift_right_arithmetic3A_67 : vector<64x1xi32>
        %bitcast_convert_type3A_69 = tpu.bitcast %shift_right_arithmetic3A_68 : vector<64x1xi32> -> vector<64x1xf32>
        %ge3A_70 = vector.broadcast %bitcast_convert_type3A_69 : vector<64x1xf32> to vector<64x4096xf32>
        %ge3A_71 = arith.cmpf oge, %get3A_1, %ge3A_70 : vector<64x4096xf32>
        %jit3A_72 = arith.constant 1.000000e+00 : f32
        %jit3A_73 = arith.constant 0.000000e+00 : f32
        %broadcast_in_dim3A_74 = vector.broadcast %jit3A_72 : f32 to vector<64x4096xf32>
        %broadcast_in_dim3A_75 = vector.broadcast %jit3A_73 : f32 to vector<64x4096xf32>
        %select_n3A_76 = arith.select %ge3A_71, %broadcast_in_dim3A_74, %broadcast_in_dim3A_75 : vector<64x4096xi1>, vector<64x4096xf32>
        %reduce_sum3A_77 = arith.constant dense<0.000000e+00> : vector<64xf32>
        %reduce_sum3A_78 = vector.multi_reduction <add>, %select_n3A_76, %reduce_sum3A_77 [1] : vector<64x4096xf32> to vector<64xf32>
        %broadcast_in_dim3A_79 = vector.shape_cast %reduce_sum3A_78 : vector<64xf32> to vector<64x1xf32>
        %ge3A_80 = arith.cmpf oge, %broadcast_in_dim3A_79, %convert_element_type3A_44 : vector<64x1xf32>
        %select_n3A_81 = arith.select %ge3A_80, %shift_right_arithmetic3A_68, %while3A_64 : vector<64x1xi1>, vector<64x1xi32>
        %select_n3A_82 = arith.select %ge3A_80, %while3A_65, %shift_right_arithmetic3A_68 : vector<64x1xi1>, vector<64x1xi32>
        scf.yield %select_n3A_81, %select_n3A_82 : vector<64x1xi32>, vector<64x1xi32>
      }
      %bitcast_convert_type3A_60 = tpu.bitcast %while3A#0 : vector<64x1xi32> -> vector<64x1xf32>
      %swap3A_61 = arith.constant 0 : index
      %swap3A_62 = arith.constant 0 : index
      %swap3A_63 = vector.load %arg4[%swap3A_61, %swap3A_62] : memref<64x1xf32, #tpu.memory_space<vmem>>, vector<64x1xf32>
      tpu.vector_store %arg4[%swap3A_61, %swap3A_62], %bitcast_convert_type3A_60 {strides = array<i32>} : memref<64x1xf32, #tpu.memory_space<vmem>>, vector<64x1xf32>,
    } else {
    }
    %mul3A = arith.constant 8 : i32
    %mul3A_4 = arith.muli %arg0, %mul3A : i32
    %get3A_5 = arith.index_cast %mul3A_4 : i32 to index
    %get3A_6 = arith.constant 0 : index
    %get3A_7 = vector.load %arg4[%get3A_5, %get3A_6] : memref<64x1xf32, #tpu.memory_space<vmem>>, vector<8x1xf32>
    %broadcast_in_dim3A = vector.shape_cast %get3A_1 : vector<64x4096xf32> to vector<1x64x4096xf32>
    %broadcast_in_dim3A_8 = vector.shape_cast %get3A_7 : vector<8x1xf32> to vector<8x1x1xf32>
    %ge3A = vector.broadcast %broadcast_in_dim3A : vector<1x64x4096xf32> to vector<8x64x4096xf32>
    %ge3A_9 = vector.broadcast %broadcast_in_dim3A_8 : vector<8x1x1xf32> to vector<8x64x4096xf32>
    %ge3A_10 = arith.cmpf oge, %ge3A, %ge3A_9 : vector<8x64x4096xf32>
    %jit3A = arith.constant 0.000000e+00 : f32
    %broadcast_in_dim3A_11 = vector.shape_cast %broadcast_in_dim3A : vector<1x64x4096xf32> to vector<1x64x4096xf32>
    %broadcast_in_dim3A_12 = vector.broadcast %broadcast_in_dim3A_11 : vector<1x64x4096xf32> to vector<8x64x4096xf32>
    %broadcast_in_dim3A_13 = vector.broadcast %jit3A : f32 to vector<8x64x4096xf32>
    %select_n3A = arith.select %ge3A_10, %broadcast_in_dim3A_12, %broadcast_in_dim3A_13 : vector<8x64x4096xi1>, vector<8x64x4096xf32>
    %reduce_sum3A = arith.constant dense<0.000000e+00> : vector<8x64xf32>
    %reduce_sum3A_14 = vector.multi_reduction <add>, %select_n3A, %reduce_sum3A [2] : vector<8x64x4096xf32> to vector<8x64xf32>
    %broadcast_in_dim3A_15 = vector.shape_cast %reduce_sum3A_14 : vector<8x64xf32> to vector<8x64x1xf32>
    %add3A = arith.constant 9.99999993E-9 : f32
    %add3A_16 = vector.broadcast %add3A : f32 to vector<8x64x1xf32>
    %add3A_17 = arith.addf %broadcast_in_dim3A_15, %add3A_16 : vector<8x64x1xf32>
    %div3A = arith.constant 1.000000e+00 : f32
    %div3A_18 = vector.broadcast %div3A : f32 to vector<8x64x1xf32>
    %div3A_19 = arith.divf %div3A_18, %add3A_17 : vector<8x64x1xf32>
    %mul3A_20 = vector.broadcast %div3A_19 : vector<8x64x1xf32> to vector<8x64x4096xf32>
    %mul3A_21 = arith.mulf %select_n3A, %mul3A_20 : vector<8x64x4096xf32>
    %swap3A = arith.constant 0 : index
    %swap3A_22 = arith.constant 0 : index
    %swap3A_23 = arith.constant 0 : index
    %swap3A_24 = vector.load %arg3[%swap3A, %swap3A_22, %swap3A_23] : memref<8x64x4096xf32, #tpu.memory_space<vmem>>, vector<8x64x4096xf32>
    tpu.vector_store %arg3[%swap3A, %swap3A_22, %swap3A_23], %mul3A_21 {strides = array<i32>} : memref<8x64x4096xf32, #tpu.memory_space<vmem>>, vector<8x64x4096xf32>,
    return
  }
  func.func @transform_0(%arg0: i32) -> (i32, i32) {
    %c0_i32 = arith.constant 0 : i32
    %c0_i32_0 = arith.constant 0 : i32
    %c0_i32_1 = arith.constant 0 : i32
    return %c0_i32, %c0_i32_0 : i32, i32
  }
  func.func @transform_1(%arg0: i32) -> (i32, i32) {
    %c0_i32 = arith.constant 0 : i32
    %c0_i32_0 = arith.constant 0 : i32
    %c0_i32_1 = arith.constant 0 : i32
    return %c0_i32, %c0_i32_0 : i32, i32
  }
  func.func @transform_2(%arg0: i32) -> (i32, i32, i32) {
    %c0_i32 = arith.constant 0 : i32
    %c0_i32_0 = arith.constant 0 : i32
    %c0_i32_1 = arith.constant 0 : i32
    return %arg0, %c0_i32, %c0_i32_0 : i32, i32, i32
  }
}

</mosaic_0001>

<sc_bundles>
// kernel: kernel.4.cloned.1.call-start
scs
__scs_entry_jumppad:
0x0: {  	(pc) =	sbr.rel $0x88, $3  }
0x1: {  	(tag) =	ssettag $0x0;
	lr =	simm.s32 $0x1  }
0x2: {  	[smem:$0x3FA0] =	sst lr;
	_ =	strace $0xD0000000  }
0x3: {  	_ = 	snop  }
0x4: {  	_ = 	snop  }
0x5: {  	_ = 	snop  }
0x6: {  	_ = 	snop  }
0x7: {  	_ = 	snop  }
__scs_overlays_trampoline_lowered:
0x8: {  	[smem:$0x3FAF] =	sst s0  }
0x9: {  	[smem:$0x3FB0] =	sst s1  }
0xa: {  	[smem:$0x3FB1] =	sst s2  }
0xb: {  	[smem:$0x3FB2] =	sst s3  }
0xc: {  	[smem:$0x3FB3] =	sst s4  }
0xd: {  	[smem:$0x3FB4] =	sst s5  }
0xe: {  	[smem:$0x3FB5] =	sst s6  }
0xf: {  	[smem:$0x3FB6] =	sst s7  }
0x10: {  	[smem:$0x3FB7] =	sst s8  }
0x11: {  	[smem:$0x3FB8] =	sst s9;
	s0 =	simm.s32 @!p0 $0x0  }
0x12: {  	s1 =	sld [smem:$0x3F9E];
	s0 =	simm.s32 @p0 $0x1  }
0x13: {  	[smem:$0x3FB9] =	sst s0;
	s0 =	simm.s32 @!p1 $0x0  }
0x14: {  	s2 =	sld [smem:$0x3F9D];
	s0 =	simm.s32 @p1 $0x1  }
0x15: {  	[smem:$0x3FBA] =	sst s0;
	s0 =	simm.s32 @!p2 $0x0  }
0x16: {  	s3 =	sld [smem:$0x3FDB];
	s0 =	simm.s32 @p2 $0x1  }
0x17: {  	s4 =	simm.s32 $0x1BF5;
	[smem:$0x3FBC] =	sst s0  }
0x18: {  	s0 =	sld [smem:$0x3F9F];
	_ =	swait.ge [sflag:s4], $0x0  }
0x19: {  	s7 =	sld [smem:$0x3FA0]  }
0x1a: {  	s8 =	sadd.s32 $0xFFFFE003, lr  }
0x1b: {  	s9 =	sadd.s32 $0xFFFFFEF7, lr;
	s5 =	simm.s32 $0xFFFFFFFF;
	p2 =	slt.u32 s8, $0xFFFFF086  }
0x1c: {  	p1 =	slt.u32 s9, $0xF7A;
	s5 =	simm.s32 @!p2 $0x0  }
0x1d: {  	s5 =	simm.s32 @p1 $0x1;
	p0 =	seq.s32 s7, s2  }
0x1e: {  	s7 =	smul.u32 @!p0 $0xF7A, s2;
	p2 =	seq.s32 @!p0 s5, $0x0  }
0x1f: {  	s9 =	smul.u32 $0xF7A, s1;
	s8 =	simm.s32 @!p0 $0x1BF5;
	p2 =	por !p2, p0  }
0x20: {  	[sflag:s8] =	ssyncset.s32 @!p0 $0xFFFFF086;
	s6 =	sadd.s32 @!p0 s3, s7;
	s7 =	simm.s32 @!p0 $0x108  }
0x21: {  	s3 =	sadd.s32 s3, s9;
	s6 =	sadd.s32 @!p0 $0x88, s6;
	s7 =	simm.s32 @p2 $0x1082  }
0x22: {  	[simem:s7], [sflag:s8] =	dma.local @!p0 [hbm:s6], $0xF7A  }
0x23: {  	s9 =	sor.u32 $0xD0000000, s2;
	s6 =	simm.s32 $0x108;
	_ =	swait.ge @!p0 [sflag:s8], $0x0  }
0x24: {  	s3 =	sadd.s32 $0x88, s3;
	s6 =	simm.s32 @!p1 $0x1082;
	[sflag:s4] =	ssyncset.s32 $0xFFFFF086  }
0x25: {  	[simem:s6], [sflag:s4] =	dma.local [hbm:s3], $0xF7A  }
0x26: {  	[smem:$0x3FA0] =	sst s1;
	(tag) =	ssettag s2;
	_ =	strace s9  }
0x27: {  	s1 =	sld [smem:$0x3FB0]  }
0x28: {  	s2 =	sld [smem:$0x3FB1]  }
0x29: {  	s4 =	sld [smem:$0x3FB3]  }
0x2a: {  	p0 =	seq.s32 s5, $0x0;
	s5 =	sld [smem:$0x3FB4]  }
0x2b: {  	s6 =	sld [smem:$0x3FB5]  }
0x2c: {  	s7 =	sld [smem:$0x3FB6]  }
0x2d: {  	s3 =	simm.s32 $0x108;
	s8 =	sld [smem:$0x3FB7]  }
0x2e: {  	s3 =	simm.s32 @!p0 $0x1082;
	s9 =	sld [smem:$0x3FB8]  }
0x2f: {  	lr =	sadd.s32 s0, s3;
	s0 =	sld [smem:$0x3FAF]  }
0x30: {  	s3 =	sld [smem:$0x3FB2]  }
0x31: {  	[smem:$0x3FBB] =	sst s10  }
0x32: {  	s10 =	sld [smem:$0x3FB9];
	_ =	sdelay $0x3  }
0x33: {  	p0 =	seq.s32 s10, $0x1;
	s10 =	sld [smem:$0x3FBB];
	_ =	sdelay $0x3  }
0x34: {  	[smem:$0x3FBB] =	sst s10  }
0x35: {  	s10 =	sld [smem:$0x3FBA];
	_ =	sdelay $0x3  }
0x36: {  	p1 =	seq.s32 s10, $0x1;
	s10 =	sld [smem:$0x3FBB];
	_ =	sdelay $0x3  }
0x37: {  	[smem:$0x3FBB] =	sst s10  }
0x38: {  	s10 =	sld [smem:$0x3FBC]  }
0x39: {  	_ = 	snop;
	(pc) =	sbr.ind lr, $3  }
0x3a: {  	_ = 	snop  }
0x3b: {  	_ = 	snop  }
0x3c: {  	p2 =	seq.s32 s10, $0x1;
	s10 =	sld [smem:$0x3FBB]  }
0x3d: {  	_ =	shalt  }
0x3e: {  	_ =	shalt  }
0x3f: {  	_ =	shalt  }
0x40: {  	_ =	shalt  }
0x41: {  	_ =	shalt  }
0x42: {  	_ =	shalt  }
0x43: {  	_ =	shalt  }
0x44: {  	_ =	shalt  }
0x45: {  	_ =	shalt  }
0x46: {  	_ =	shalt  }
0x47: {  	_ =	shalt  }
0x48: {  	_ =	shalt  }
0x49: {  	_ =	shalt  }
0x4a: {  	_ =	shalt  }
0x4b: {  	_ =	shalt  }
0x4c: {  	_ =	shalt  }
0x4d: {  	_ =	shalt  }
0x4e: {  	_ =	shalt  }
0x4f: {  	_ =	shalt  }
0x50: {  	_ =	shalt  }
0x51: {  	_ =	shalt  }
0x52: {  	_ =	shalt  }
0x53: {  	_ =	shalt  }
0x54: {  	_ =	shalt  }
0x55: {  	_ =	shalt  }
0x56: {  	_ =	shalt  }
0x57: {  	_ =	shalt  }
0x58: {  	_ =	shalt  }
0x59: {  	_ =	shalt  }
0x5a: {  	_ =	shalt  }
0x5b: {  	_ =	shalt  }
0x5c: {  	_ =	shalt  }
0x5d: {  	_ =	shalt  }
0x5e: {  	_ =	shalt  }
0x5f: {  	_ =	shalt  }
0x60: {  	_ =	shalt  }
0x61: {  	_ =	shalt  }
0x62: {  	_ =	shalt  }
0x63: {  	_ =	shalt  }
0x64: {  	_ =	shalt  }
0x65: {  	_ =	shalt  }
0x66: {  	_ =	shalt  }
0x67: {  	_ =	shalt  }
0x68: {  	_ =	shalt  }
0x69: {  	_ =	shalt  }
0x6a: {  	_ =	shalt  }
0x6b: {  	_ =	shalt  }
0x6c: {  	_ =	shalt  }
0x6d: {  	_ =	shalt  }
0x6e: {  	_ =	shalt  }
0x6f: {  	_ =	shalt  }
0x70: {  	_ =	shalt  }
0x71: {  	_ =	shalt  }
0x72: {  	_ =	shalt  }
0x73: {  	_ =	shalt  }
0x74: {  	_ =	shalt  }
0x75: {  	_ =	shalt  }
0x76: {  	_ =	shalt  }
0x77: {  	_ =	shalt  }
0x78: {  	_ =	shalt  }
0x79: {  	_ =	shalt  }
0x7a: {  	_ =	shalt  }
0x7b: {  	_ =	shalt  }
0x7c: {  	_ =	shalt  }
0x7d: {  	_ =	shalt  }
0x7e: {  	_ =	shalt  }
0x7f: {  	_ =	shalt  }
0x80: {  	_ =	shalt  }
0x81: {  	_ =	shalt  }
0x82: {  	_ =	shalt  }
0x83: {  	_ =	shalt  }
0x84: {  	_ =	shalt  }
0x85: {  	_ =	shalt  }
0x86: {  	_ =	shalt  }
0x87: {  	_ =	shalt  }
.Lfunc_end0:
.L_simem_size_0:
called_computation_lowered:
.L_overlay_start_0:
0x88: {  	s2 =	sld [smem:$0x3FD9]  }
0x89: {  	s3 =	sld [smem:$0x3FFE];
	_ =	sdelay $0x1  }
0x8a: {  	s1 =	srdreg.scid  }
0x8b: {  	s0 =	sand.u32 $0x1, s1  }
0x8c: {  	s18 =	sshll.u32 s0, $0xA;
	s2 =	sadd.s32 s3, s2  }
0x8d: {  	s2 =	sadd.s32 s2, s18  }
0x8e: {  	[smem:$0x3FC7] =	sst s2  }
0x8f: {  	_ = 	snop  }
0x90: {  	s2 =	sld [smem:$0x3FC9]  }
0x91: {  	s19 =	sld [smem:$0x3FD0];
	(tm) =	ssettm $0x1  }
0x92: {  	s4 =	sld [smem:$0x3FFB];
	_ =	sdelay $0x3  }
0x93: {  	_ =	strace s4  }
0x94: {  	s4 =	sld [smem:$0x3FFC];
	_ =	sdelay $0x3  }
0x95: {  	_ =	strace s4  }
0x96: {  	s4 =	sld [smem:$0x3FFD];
	_ =	sdelay $0x3  }
0x97: {  	_ =	strace s4  }
0x98: {  	_ =	strace $0x8FFFFFFF  }
0x99: {  	s20 =	sld [smem:$0x3FDB];
	_ =	sdelay $0x1  }
0x9a: {  	s5 =	simm.s32 $_scs_section_size  }
0x9b: {  	s6 =	simm.s32 $_size__tile_overlayer_lowered;
	s7 =	simm.s32 $_tile_overlayer_lowered  }
0x9c: {  	s23 =	simm.s32 $0x1BFF;
	s22 =	sshll.u32 s7, $0x1;
	s4 =	sadd.s32 s5, s20  }
0x9d: {  	s8 =	simm.s32 $0x0;
	s21 =	sshll.u32 s6, $0x1;
	s6 =	sadd.s32 s22, s4  }
0x9e: {  	[timem:s8], [sflag:s23] =	dma.local [hbm:s6], s21  }
0x9f: {  	_ =	swait.ge [sflag:s23], s21  }
0xa0: {  	s5 =	ssub.s32 $0x0, s21;
	[sflag:s23] =	ssyncset.done $0x0  }
0xa1: {  	[sflag:s23] =	ssyncadd.s32 s5;
	_ =	sdelay $0x1  }
0xa2: {  	s24 =	simm.s32 $0x1B8B  }
0xa3: {  	_ =	swait.ge [sflag:s24], $0x1  }
0xa4: {  	[sflag:s24] =	ssyncset.done $0x0  }
0xa5: {  	s25 =	simm.s32 $0x1B8E;
	[sflag:s24] =	ssyncadd.s32 $0xFFFFFFFF  }
0xa6: {  	s26 =	simm.s32 $execute0_lowered;
	[smem:$0x3FD2] =	sst s25  }
0xa7: {  	s5 =	sshll.u32 s26, $0x1;
	_ =	strace $0x80000046;
	[dreg:$0x1] =	wrdreg $0xFFFFFFFF  }
0xa8: {  	s28 =	simm.s32 $_size_execute0_lowered;
	s4 =	sadd.s32 s4, s5;
	[dreg:$0x0] =	wrdreg $0x0  }
0xa9: {  	s5 =	sshll.u32 s28, $0x1;
	[dreg:$0x2] =	wrdreg s4  }
0xaa: {  	[dreg:$0x3] =	wrdreg s5  }
0xab: {  	[dreg:$0x4] =	wrdreg $0xC0  }
0xac: {  	_ =	task [dreg:s8], $0x5FFFF  }
0xad: {  	[dreg:$0x1] =	wrdreg $0xFFFFFFFF  }
0xae: {  	[dreg:$0x0] =	wrdreg $0x60  }
0xaf: {  	[dreg:$0x2] =	wrdreg s2  }
0xb0: {  	[dreg:$0x3] =	wrdreg s19  }
0xb1: {  	[dreg:$0x4] =	wrdreg $0x9  }
0xb2: {  	_ =	task.clear_ibuf [dreg:s8], $0x5FFFF;
	_ =	strace $0x90000046  }
0xb3: {  	s29 =	simm.s32 $0x9;
	_ =	strace $0x80000048  }
0xb4: {  	_ =	swait.ge [sflag:s29], $0x1  }
0xb5: {  	[sflag:s29] =	ssyncadd.s32 $0xFFFFFFFF  }
0xb6: {  	_ =	strace $0x90000048  }
0xb7: {  	_ =	sfence  }
0xb8: {  	s30 =	sld [smem:$0x0];
	_ =	sdelay $0x2  }
0xb9: {  	s31 =	sshll.u32 s1, $0xD;
	s1 =	sshrl.u32 s1, $0x2  }
0xba: {  	s3 =	sand.u32 $0x4000, s31;
	s1 =	sadd.s32 s1, s30  }
0xbb: {  	s0 =	sor.u32 s3, s0;
	s1 =	sshll.u32 s1, $0x11  }
0xbc: {  	s0 =	sor.u32 s1, s0  }
0xbd: {  	s0 =	sadd.s32 $0x8F2B, s0  }
0xbe: {  	[sflag:s0] =	ssyncadd.remote.s32 $0x1  }
0xbf: {  	_ =	sfence.sel $0xFFFF  }
0xc0: {  	[dreg:$0x0] =	wrdreg $0xFFFFFFFF;
	(pc) =	sbr.abs _section_cstart, $3  }
0xc1: {  	[dreg:$0x1] =	wrdreg $0xFFFFFFFF  }
0xc2: {  	_ =	task.clear_ibuf [dreg:s8], $0x2FFFF;
	_ =	strace $0x9FFFFFFF  }
0xc3: {  	(tm) =	ssettm $0x7FFFFFFF  }
tec
execute0_lowered:
.L_overlay_start_1:
0x0: {  	(tag) =	ssettag $0x1  }
0x1: {  	s3 =	rddreg [dreg:$0x0]  }
0x2: {  	s4 =	rddreg [dreg:$0x1];
	s1 =	srdreg.scid  }
0x3: {  	s0 =	rddreg [dreg:$0x2];
	s2 =	simm.s32 $0x0;
	s10 =	simm.s32 $0x2000  }
0x4: {  	s11 =	simm.s32 $0x0;
	s5 =	sand.u32 $0x1, s1;
	[smem:$0x7FF] =	sst s2  }
0x5: {  	s1 =	stileid.u32;
	s6 =	ssub.s32 $0x2, s5;
	_ =	strace $0x80000047  }
0x6: {  	s8 =	sshll.u32 s1, $0x9;
	s5 =	sshll.u32 s5, $0x8;
	s9 =	sshrl.u32 s1, $0x1  }
0x7: {  	s7 =	sshrl.u32 s6, $0x1;
	s29 =	sand.u32 $0x200, s8;
	s30 =	sand.u32 $0x1C00, s8  }
0x8: {  	s31 =	sshll.u32 s9, $0xF;
	s9 =	sshll.u32 s9, $0xA;
	s5 =	sor.u32 s5, s29  }
0x9: {  	s6 =	ssub.s32 s6, s7;
	s7 =	sor.u32 s5, s30;
	s8 =	sor.u32 s31, s5  }
0xa: {  	s5 =	sor.u32 s9, s5;
	s6 =	smax.u32 s6, $0x1;
	s9 =	simm.s32 $0x1  }
0xb: {  	s7 =	sshrl.u32 s7, $0x3;
	s8 =	sshrl.u32 s8, $0x3;
	s5 =	sshrl.u32 s5, $0x3  }
0xc: {  	s7 =	sadd.s32 s7, s4;
	s3 =	sadd.s32 s3, s8;
	s4 =	sadd.s32 s4, s5  }
0xd: {  	s8 =	simm.s32 $0x400;
	s5 =	sadd.s32 $0x10, s7;
	s7 =	simm.s32 $0x100  }
.LBB2_1:
0xe: {  	[tilespmem:s2], [sflag:$0x1] =	stream.strided.gather [hbm4b:s3+s7], $0x2000, s8, s7, $0x38;
	[tilespmem:$0x2080] =	vst v63  }
0xf: {  	_ =	swait.ge [sflag:s9], $0x2000  }
0x10: {  	s12 =	sand.u32 $0x70, s2;
	s13 =	sand.u32 $0x1F00, s2;
	[sflag:s9] =	ssyncset.done $0x0  }
0x11: {  	s13 =	sor.u32 s12, s13;
	[sflag:s9] =	ssyncadd.s32 $0xFFFFE000  }
0x12: {  	v0 =	vimm.f32 $0.0e+00;
	s12 =	simm.s32 $0x10;
	v1 =	vld [tilespmem:s13+$0x0];
	s13 =	simm.s32 $0x0  }
.LBB2_2:
0x13: {  	p0 =	sne.s32 s12, $0xFF0  }
.Ltmp0:
0x14: {  	_ = 	snop;
	(pc) =	sbr.rel @p0 .LBB2_2-.Ltmp0, $4  }
0x15: {  	s13 =	sadd.s32 $0x20, s13  }
0x16: {  	s14 =	sand.u32 $0x70, s12;
	s15 =	sand.u32 $0x1F00, s13  }
0x17: {  	s14 =	sor.u32 s14, s15  }
0x18: {  	s12 =	sadd.s32 $0x10, s12;
	v0 =	vmax.f32 v0, v1;
	v1 =	vld [tilespmem:s14+$0x0]  }
0x19: {  	_ =	sdelay $0x3  }
0x1a: {  	v0 =	vmax.f32 v0, v1  }
0x1b: {  	(v2sf) =	vpush v0, $0x0  }
0x1c: {  	(v2sf) =	vpush v0, $0x1  }
0x1d: {  	(v2sf) =	vpush v0, $0x2  }
0x1e: {  	(v2sf) =	vpush v0, $0x3  }
0x1f: {  	(v2sf) =	vpush v0, $0x4  }
0x20: {  	(v2sf) =	vpush v0, $0x5  }
0x21: {  	(v2sf) =	vpush v0, $0x6  }
0x22: {  	(v2sf) =	vpush v0, $0x7  }
0x23: {  	(v2sf) =	vpush v0, $0x8  }
0x24: {  	(v2sf) =	vpush v0, $0x9  }
0x25: {  	(v2sf) =	vpush v0, $0xA  }
0x26: {  	(v2sf) =	vpush v0, $0xB  }
0x27: {  	(v2sf) =	vpush v0, $0xC  }
0x28: {  	(v2sf) =	vpush v0, $0xD  }
0x29: {  	(v2sf) =	vpush v0, $0xE  }
0x2a: {  	s12 =	spop (v2sf);
	(v2sf) =	vpush v0, $0xF  }
0x2b: {  	s13 =	spop (v2sf)  }
0x2c: {  	s14 =	spop (v2sf);
	s12 =	smax.f32 s12, s13  }
0x2d: {  	s16 =	spop (v2sf);
	s12 =	smax.f32 s12, s14  }
0x2e: {  	s17 =	spop (v2sf);
	s12 =	smax.f32 s12, s16  }
0x2f: {  	s18 =	spop (v2sf);
	s12 =	smax.f32 s12, s17  }
0x30: {  	s19 =	spop (v2sf);
	s12 =	smax.f32 s12, s18  }
0x31: {  	s20 =	spop (v2sf);
	s12 =	smax.f32 s12, s19  }
0x32: {  	s21 =	spop (v2sf);
	s12 =	smax.f32 s12, s20  }
0x33: {  	s22 =	spop (v2sf);
	s12 =	smax.f32 s12, s21  }
0x34: {  	s23 =	spop (v2sf);
	s12 =	smax.f32 s12, s22  }
0x35: {  	s24 =	spop (v2sf);
	s12 =	smax.f32 s12, s23  }
0x36: {  	s25 =	spop (v2sf);
	s12 =	smax.f32 s12, s24  }
0x37: {  	s26 =	spop (v2sf);
	s12 =	smax.f32 s12, s25  }
0x38: {  	s28 =	spop (v2sf);
	s12 =	smax.f32 s12, s26  }
0x39: {  	s12 =	smax.f32 s12, s28;
	s29 =	spop (v2sf)  }
0x3a: {  	s12 =	smax.f32 s12, s29  }
0x3b: {  	v0 =	vmov s12  }
0x3c: {  	s12 =	simm.s32 $0x0;
	[tilespmem:$0x2000] =	vst v0  }
0x3d: {  	[hbm4b:s4+s12] =	stream.linear.scatter [tilespmem:s10], [sflag:$0x1], $0x80, $0x38;
	[tilespmem:$0x2080] =	vst v63  }
0x3e: {  	_ =	swait.ge [sflag:s9], $0x80  }
0x3f: {  	s30 =	sand.u32 $0x70, s12;
	s31 =	sand.u32 $0x1F00, s12;
	[sflag:s9] =	ssyncset.done $0x0  }
0x40: {  	s14 =	sor.u32 s30, s31;
	[sflag:s9] =	ssyncadd.s32 $0xFFFFFF80  }
0x41: {  	s13 =	simm.s32 $0x10;
	v0 =	vimm.f32 $0.0e+00;
	v1 =	vld [tilespmem:s14+$0x80]  }
.LBB2_4:
0x42: {  	p0 =	sne.s32 s13, $0xFF0  }
.Ltmp1:
0x43: {  	_ = 	snop;
	(pc) =	sbr.rel @p0 .LBB2_4-.Ltmp1, $4  }
0x44: {  	s12 =	sadd.s32 $0x20, s12  }
0x45: {  	s14 =	sand.u32 $0x70, s13;
	s15 =	sand.u32 $0x1F00, s12  }
0x46: {  	s14 =	sor.u32 s14, s15  }
0x47: {  	s13 =	sadd.s32 $0x10, s13;
	v0 =	vmax.f32 v0, v1;
	v1 =	vld [tilespmem:s14+$0x80]  }
0x48: {  	_ =	sdelay $0x3  }
0x49: {  	v0 =	vmax.f32 v0, v1  }
0x4a: {  	(v2sf) =	vpush v0, $0x0  }
0x4b: {  	(v2sf) =	vpush v0, $0x1  }
0x4c: {  	(v2sf) =	vpush v0, $0x2  }
0x4d: {  	(v2sf) =	vpush v0, $0x3  }
0x4e: {  	(v2sf) =	vpush v0, $0x4  }
0x4f: {  	(v2sf) =	vpush v0, $0x5  }
0x50: {  	(v2sf) =	vpush v0, $0x6  }
0x51: {  	(v2sf) =	vpush v0, $0x7  }
0x52: {  	(v2sf) =	vpush v0, $0x8  }
0x53: {  	(v2sf) =	vpush v0, $0x9  }
0x54: {  	(v2sf) =	vpush v0, $0xA  }
0x55: {  	(v2sf) =	vpush v0, $0xB  }
0x56: {  	(v2sf) =	vpush v0, $0xC  }
0x57: {  	(v2sf) =	vpush v0, $0xD  }
0x58: {  	(v2sf) =	vpush v0, $0xE  }
0x59: {  	s12 =	spop (v2sf);
	(v2sf) =	vpush v0, $0xF  }
0x5a: {  	s13 =	spop (v2sf)  }
0x5b: {  	s12 =	smax.f32 s12, s13;
	s17 =	spop (v2sf)  }
0x5c: {  	s12 =	smax.f32 s12, s17;
	s18 =	spop (v2sf)  }
0x5d: {  	s12 =	smax.f32 s12, s18;
	s19 =	spop (v2sf)  }
0x5e: {  	s12 =	smax.f32 s12, s19;
	s20 =	spop (v2sf)  }
0x5f: {  	s12 =	smax.f32 s12, s20;
	s21 =	spop (v2sf)  }
0x60: {  	s12 =	smax.f32 s12, s21;
	s22 =	spop (v2sf)  }
0x61: {  	s12 =	smax.f32 s12, s22;
	s23 =	spop (v2sf)  }
0x62: {  	s12 =	smax.f32 s12, s23;
	s24 =	spop (v2sf)  }
0x63: {  	s12 =	smax.f32 s12, s24;
	s25 =	spop (v2sf)  }
0x64: {  	s12 =	smax.f32 s12, s25;
	s26 =	spop (v2sf)  }
0x65: {  	s12 =	smax.f32 s12, s26;
	s28 =	spop (v2sf)  }
0x66: {  	s12 =	smax.f32 s12, s28;
	s29 =	spop (v2sf)  }
0x67: {  	s12 =	smax.f32 s12, s29;
	s30 =	spop (v2sf)  }
0x68: {  	s12 =	smax.f32 s12, s30;
	s31 =	spop (v2sf)  }
0x69: {  	s11 =	sadd.s32 $0x1, s11;
	s12 =	smax.f32 s12, s31  }
0x6a: {  	p0 =	sne.s32 s11, s6;
	v63 =	vmov s12  }
.Ltmp2:
0x6b: {  	[tilespmem:$0x2000] =	vst v63;
	(pc) =	sbr.rel @p0 .LBB2_1-.Ltmp2, $4  }
0x6c: {  	[hbm4b:s5+s2] =	stream.linear.scatter [tilespmem:s10], [sflag:$0x1], $0x80, $0x38;
	[tilespmem:$0x2080] =	vst v63  }
0x6d: {  	_ =	swait.ge [sflag:s9], $0x80  }
0x6e: {  	[sflag:s9] =	ssyncset.done $0x0  }
0x6f: {  	[sflag:s9] =	ssyncadd.s32 $0xFFFFFF80  }
0x70: {  	_ =	sfence.sel $0x180000  }
0x71: {  	[bflag:$0x0] =	sbarrier.arrive $0xFFFF  }
0x72: {  	p0 =	sne.s32 s1, $0x0;
	_ =	strace $0x90000047  }
0x73: {  	s0 =	sadd.s32 @!p0 $0x100000, s0;
	[bflag:$0x2] =	sbarrier.arrive $0xFFFF  }
0x74: {  	[sflag:s0] =	ssyncadd.tile.s32 @!p0 $0x1;
	_ =	shalt  }
.Lfunc_end2:
_tile_overlayer_lowered:
.L_overlay_start_2:
0x75: {  	(tag) =	ssettag $0x2  }
0x76: {  	s0 =	rddreg [dreg:$0x0];
	s2 =	stileid.u32  }
0x77: {  	s1 =	rddreg [dreg:$0x1];
	p0 =	sne.s32 s2, $0x0  }
0x78: {  	s3 =	rddreg [dreg:$0x2];
	[bflag:$0x3] =	sbarrier.arrive $0xFFFF;
	s2 =	simm.s32 @!p0 $0x1C01  }
0x79: {  	[timem:s3], [sflag:s2] =	dma.local @!p0 [hbm:s0], s1  }
0x7a: {  	s0 =	simm.s32 @!p0 $0x1  }
0x7b: {  	_ =	swait.ge @!p0 [sflag:s0], s1  }
0x7c: {  	s1 =	ssub.s32 @!p0 $0x0, s1;
	[sflag:s0] =	ssyncset.done @!p0 $0x0  }
0x7d: {  	[sflag:s0] =	ssyncadd.s32 @!p0 s1  }
0x7e: {  	[bflag:$0x3] =	sbarrier.arrive $0xFFFF  }
0x7f: {  	_ =	shalt  }

</sc_bundles>
